<compile_context>
chip_gen: v7x
topology: tpu7x:2x2x1
jax: 0.10.2.dev20260603
libtpu: 0.0.44.dev20260713+nightly
codegen_flags: <defaults>
</compile_context>

<pallas_src>
import functools

import jax
import jax.numpy as jnp
from jax import lax
from jax.experimental import pallas as pl
from jax.experimental.pallas import tpu as pltpu
from jax.experimental.pallas import tpu_sc as plsc

V, E, H = 1000000, 64, 128
B, T = 1024, 50
NC, NS = 2, 16
NW = NC * NS
N = B * T
ROWS_PER_W = N // NW


L = 16


def _xt_body(x_ref, out_ref):
    out_ref[...] = x_ref[...].T.reshape(N)


def _xt_call(x):
    return pl.pallas_call(
        _xt_body,
        out_shape=jax.ShapeDtypeStruct((N,), jnp.int32),
    )(x)


def _gather_body(table_hbm, idx_hbm, out_hbm, idx_v, rows_v, sem):
    wid = lax.axis_index("s") * NC + lax.axis_index("c")
    base = wid * ROWS_PER_W
    pltpu.sync_copy(idx_hbm.at[pl.ds(base, ROWS_PER_W)], idx_v)
    q = ROWS_PER_W // 4
    for h in range(4):
        pltpu.async_copy(
            table_hbm.at[idx_v.at[pl.ds(h * q, q)]], rows_v, sem
        ).wait()
        pltpu.sync_copy(rows_v, out_hbm.at[pl.ds(base + h * q, q)])


@functools.cache
def _sc_gather():
    return functools.partial(
        pl.kernel,
        out_type=jax.ShapeDtypeStruct((N, 2 * E), jnp.float32),
        mesh=plsc.VectorSubcoreMesh(
            core_axis_name="c", subcore_axis_name="s",
            num_cores=NC, num_subcores=NS,
        ),
        scratch_types=[
            pltpu.VMEM((ROWS_PER_W,), jnp.int32),
            pltpu.VMEM((ROWS_PER_W // 4, 2 * E), jnp.float32),
            pltpu.SemaphoreType.DMA,
        ],
        compiler_params=pltpu.CompilerParams(
            use_tc_tiling_on_sc=False, needs_layout_passes=False
        ),
    )(_gather_body)


def _lstm_body(e_ref, wih_ref, whh_ref, bias_ref, wfc_ref, bfc_ref, out_ref,
               h_ref, c_ref):
    t = pl.program_id(0)

    @pl.when(t == 0)
    def _():
        h_ref[...] = jnp.zeros_like(h_ref)
        c_ref[...] = jnp.zeros_like(c_ref)

    gates = jnp.dot(e_ref[0][:, :E], wih_ref[...],
                    preferred_element_type=jnp.float32)
    gates += jnp.dot(h_ref[...], whh_ref[...], preferred_element_type=jnp.float32)
    gates += bias_ref[...]
    i_g = jax.nn.sigmoid(gates[:, 0 * H:1 * H])
    f_g = jax.nn.sigmoid(gates[:, 1 * H:2 * H])
    g_g = jnp.tanh(gates[:, 2 * H:3 * H])
    o_g = jax.nn.sigmoid(gates[:, 3 * H:4 * H])
    c = f_g * c_ref[...] + i_g * g_g
    c_ref[...] = c
    h = o_g * jnp.tanh(c)
    h_ref[...] = h

    @pl.when(t == T - 1)
    def _():
        out_ref[...] = (
            jnp.dot(h, wfc_ref[...], preferred_element_type=jnp.float32)
            + bfc_ref[...]
        )


def _lstm_call(e_tbe, wihT, whhT, bias, wfcT, bfc):
    return pl.pallas_call(
        _lstm_body,
        grid=(T,),
        in_specs=[
            pl.BlockSpec((1, B, 2 * E), lambda t: (t, 0, 0)),
            pl.BlockSpec((E, 4 * H), lambda t: (0, 0)),
            pl.BlockSpec((H, 4 * H), lambda t: (0, 0)),
            pl.BlockSpec((1, 4 * H), lambda t: (0, 0)),
            pl.BlockSpec((H, H), lambda t: (0, 0)),
            pl.BlockSpec((1, H), lambda t: (0, 0)),
        ],
        out_specs=pl.BlockSpec((B, H), lambda t: (0, 0)),
        out_shape=jax.ShapeDtypeStruct((B, H), jnp.float32),
        scratch_shapes=[
            pltpu.VMEM((B, H), jnp.float32),
            pltpu.VMEM((B, H), jnp.float32),
        ],
    )(e_tbe, wihT, whhT, bias, wfcT, bfc)


@jax.jit
def kernel(x, emb, W_ih, W_hh, b_ih, b_hh, W_fc, b_fc):
    idx = _xt_call(x.astype(jnp.int32))
    embp = jnp.pad(emb, ((0, 0), (0, E)))
    e_flat = _sc_gather()(embp, idx)
    e_tbe = e_flat.reshape(T, B, 2 * E)
    bias = (b_ih + b_hh).reshape(1, 4 * H)
    return _lstm_call(e_tbe, W_ih.T, W_hh.T, bias, W_fc.T, b_fc.reshape(1, H))

# --- scband reference (transcript-rebuilt; emitter-appended) ---
"""Pipeline reference for scband-text-encoder-30906584662573 (READ-ONLY COPY).

The authoritative reference and input builder live on the scoring server;
editing this copy changes nothing except your own understanding.
"""

import jax, jax.numpy as jnp
import numpy as np

V, E, H = 1000000, 64, 128
B, T = 1024, 50

def setup_inputs(seed: int = 0) -> dict:
    key = jax.random.key(seed)
    ks = jax.random.split(key, 8)
    x = jax.random.randint(ks[0], (B, T), 0, V)
    emb = jax.random.normal(ks[1], (V, E), dtype=jnp.float32) * 0.02
    emb = emb.at[0].set(0.0)  # padding_idx=0
    s = 1.0 / np.sqrt(H)
    W_ih = jax.random.uniform(ks[2], (4 * H, E), minval=-s, maxval=s, dtype=jnp.float32)
    W_hh = jax.random.uniform(ks[3], (4 * H, H), minval=-s, maxval=s, dtype=jnp.float32)
    b_ih = jax.random.uniform(ks[4], (4 * H,), minval=-s, maxval=s, dtype=jnp.float32)
    b_hh = jax.random.uniform(ks[5], (4 * H,), minval=-s, maxval=s, dtype=jnp.float32)
    W_fc = jax.random.uniform(ks[6], (H, H), minval=-s, maxval=s, dtype=jnp.float32)
    b_fc = jax.random.uniform(ks[7], (H,), minval=-s, maxval=s, dtype=jnp.float32)
    return {"x": x, "emb": emb, "W_ih": W_ih, "W_hh": W_hh, "b_ih": b_ih, "b_hh": b_hh, "W_fc": W_fc, "b_fc": b_fc}

def reference(x, emb, W_ih, W_hh, b_ih, b_hh, W_fc, b_fc):
    # embedding lookup (gather)
    e = jnp.take(emb, x, axis=0)  # [B, T, E]
    Bn = e.shape[0]
    Hn = W_hh.shape[1]

    def step(carry, et):
        h, c = carry
        gates = et @ W_ih.T + b_ih + h @ W_hh.T + b_hh
        i, f, g, o = jnp.split(gates, 4, axis=-1)  # torch gate order i,f,g,o
        i = jax.nn.sigmoid(i)
        f = jax.nn.sigmoid(f)
        g = jnp.tanh(g)
        o = jax.nn.sigmoid(o)
        c = f * c + i * g
        h = o * jnp.tanh(c)
        return (h, c), None

    h0 = jnp.zeros((Bn, Hn), dtype=e.dtype)
    c0 = jnp.zeros((Bn, Hn), dtype=e.dtype)
    (h_last, _), _ = jax.lax.scan(step, (h0, c0), jnp.swapaxes(e, 0, 1))
    # final fc on last hidden state
    return h_last @ W_fc.T + b_fc

if __name__ == "__main__":
    import jax
    _d = setup_inputs()
    print(jax.jit(kernel)(*tuple(_d.values())))

</pallas_src>

<mosaic_0001>
#map = affine_map<(d0, d1) -> (0, 0)>
#map1 = affine_map<(d0, d1) -> (0)>
module attributes {stable_mosaic.version = 14 : i64} {
  func.func @_gather_body(%arg0: i32, %arg1: i32, %arg2: memref<1000000x128xf32, #tpu.memory_space<hbm>>, %arg3: memref<51200xi32, #tpu.memory_space<hbm>>, %arg4: memref<51200x128xf32, #tpu.memory_space<hbm>>, %arg5: memref<1600xi32, #tpu.memory_space<vmem>>, %arg6: memref<400x128xf32, #tpu.memory_space<vmem>>, %arg7: memref<!tpu.dma_semaphore, #tpu.memory_space<semaphore_mem>>) attributes {dimension_semantics = [#tpu.dimension_semantics<core_parallel>, #tpu.dimension_semantics<subcore_parallel>], iteration_bounds = array<i64: 2, 16>, scalar_prefetch = 0 : i64, scratch_operands = 3 : i64, tpu.core_type = #tpu.core_type<sc_vector_subcore>, window_params = [{transform_indices = #map}, {transform_indices = #map1}, {transform_indices = #map}]} {
    %mul3A = arith.constant 2 : i32
    %mul3A_0 = arith.muli %arg1, %mul3A : i32
    %add3A = arith.addi %mul3A_0, %arg0 : i32
    %mul3A_1 = arith.constant 1600 : i32
    %mul3A_2 = arith.muli %add3A, %mul3A_1 : i32
    "tpu.region"() ({
      %run_scoped3A = tpu.sem_alloc : memref<!tpu.dma_semaphore, #tpu.memory_space<semaphore_mem>>
      %dma_start3A_49 = tpu.memref_slice %arg3[%mul3A_2] : memref<51200xi32, #tpu.memory_space<hbm>> -> memref<1600xi32, #tpu.memory_space<hbm>>
      %dma_start3A_50 = tpu.memref_slice %arg3[%mul3A_2] : memref<51200xi32, #tpu.memory_space<hbm>> -> memref<1600xi32, #tpu.memory_space<hbm>>
      tpu.enqueue_dma source(%dma_start3A_50 : memref<1600xi32, #tpu.memory_space<hbm>>) target(%arg5 : memref<1600xi32, #tpu.memory_space<vmem>>) target_semaphore(%run_scoped3A : memref<!tpu.dma_semaphore, #tpu.memory_space<semaphore_mem>>)
      %dma_wait3A_51 = tpu.memref_slice %arg3[%mul3A_2] : memref<51200xi32, #tpu.memory_space<hbm>> -> memref<1600xi32, #tpu.memory_space<hbm>>
      %dma_wait3A_52 = tpu.memref_slice %arg3[%mul3A_2] : memref<51200xi32, #tpu.memory_space<hbm>> -> memref<1600xi32, #tpu.memory_space<hbm>>
      tpu.wait_dma2 semaphore(%run_scoped3A : memref<!tpu.dma_semaphore, #tpu.memory_space<semaphore_mem>>) src(%dma_wait3A_52 : memref<1600xi32, #tpu.memory_space<hbm>>) dst(%arg5 : memref<1600xi32, #tpu.memory_space<vmem>>)
      tpu.yield
    }) : () -> ()
    %dma_start3A = arith.constant 0 : i32
    %dma_start3A_3 = tpu.memref_slice %arg5[%dma_start3A] : memref<1600xi32, #tpu.memory_space<vmem>> -> memref<400xi32, #tpu.memory_space<vmem>>
    %dma_start3A_4 = arith.constant 0 : i32
    %dma_start3A_5 = arith.constant 0 : i32
    %dma_start3A_6 = tpu.memref_slice %arg2[%dma_start3A_4, %dma_start3A_5] : memref<1000000x128xf32, #tpu.memory_space<hbm>> -> memref<1000000x128xf32, #tpu.memory_space<hbm>>
    tpu.enqueue_indirect_dma source(%dma_start3A_6 : memref<1000000x128xf32, #tpu.memory_space<hbm>>) target(%arg6 : memref<400x128xf32, #tpu.memory_space<vmem>>) offsets(%dma_start3A_3 : memref<400xi32, #tpu.memory_space<vmem>>) semaphore(%arg7 : memref<!tpu.dma_semaphore, #tpu.memory_space<semaphore_mem>>)
    %dma_wait3A = arith.constant 0 : i32
    %dma_wait3A_7 = tpu.memref_slice %arg5[%dma_wait3A] : memref<1600xi32, #tpu.memory_space<vmem>> -> memref<400xi32, #tpu.memory_space<vmem>>
    %dma_wait3A_8 = arith.constant 0 : i32
    %dma_wait3A_9 = arith.constant 0 : i32
    %dma_wait3A_10 = tpu.memref_slice %arg2[%dma_wait3A_8, %dma_wait3A_9] : memref<1000000x128xf32, #tpu.memory_space<hbm>> -> memref<1000000x128xf32, #tpu.memory_space<hbm>>
    tpu.wait_indirect_dma semaphore(%arg7 : memref<!tpu.dma_semaphore, #tpu.memory_space<semaphore_mem>>) src(%dma_wait3A_10 : memref<1000000x128xf32, #tpu.memory_space<hbm>>) dst(%arg6 : memref<400x128xf32, #tpu.memory_space<vmem>>)
    %add3A_11 = arith.constant 0 : i32
    %add3A_12 = arith.addi %mul3A_2, %add3A_11 : i32
    "tpu.region"() ({
      %run_scoped3A = tpu.sem_alloc : memref<!tpu.dma_semaphore, #tpu.memory_space<semaphore_mem>>
      %dma_start3A_49 = arith.constant 0 : i32
      %dma_start3A_50 = tpu.memref_slice %arg4[%add3A_12, %dma_start3A_49] : memref<51200x128xf32, #tpu.memory_space<hbm>> -> memref<400x128xf32, #tpu.memory_space<hbm>>
      %dma_start3A_51 = arith.constant 0 : i32
      %dma_start3A_52 = tpu.memref_slice %arg4[%add3A_12, %dma_start3A_51] : memref<51200x128xf32, #tpu.memory_space<hbm>> -> memref<400x128xf32, #tpu.memory_space<hbm>>
      tpu.enqueue_dma source(%arg6 : memref<400x128xf32, #tpu.memory_space<vmem>>) target(%dma_start3A_52 : memref<400x128xf32, #tpu.memory_space<hbm>>) target_semaphore(%run_scoped3A : memref<!tpu.dma_semaphore, #tpu.memory_space<semaphore_mem>>)
      %dma_wait3A_53 = arith.constant 0 : i32
      %dma_wait3A_54 = tpu.memref_slice %arg4[%add3A_12, %dma_wait3A_53] : memref<51200x128xf32, #tpu.memory_space<hbm>> -> memref<400x128xf32, #tpu.memory_space<hbm>>
      %dma_wait3A_55 = arith.constant 0 : i32
      %dma_wait3A_56 = tpu.memref_slice %arg4[%add3A_12, %dma_wait3A_55] : memref<51200x128xf32, #tpu.memory_space<hbm>> -> memref<400x128xf32, #tpu.memory_space<hbm>>
      tpu.wait_dma2 semaphore(%run_scoped3A : memref<!tpu.dma_semaphore, #tpu.memory_space<semaphore_mem>>) src(%arg6 : memref<400x128xf32, #tpu.memory_space<vmem>>) dst(%dma_wait3A_56 : memref<400x128xf32, #tpu.memory_space<hbm>>)
      tpu.yield
    }) : () -> ()
    %dma_start3A_13 = arith.constant 400 : i32
    %dma_start3A_14 = tpu.memref_slice %arg5[%dma_start3A_13] : memref<1600xi32, #tpu.memory_space<vmem>> -> memref<400xi32, #tpu.memory_space<vmem>>
    %dma_start3A_15 = arith.constant 0 : i32
    %dma_start3A_16 = arith.constant 0 : i32
    %dma_start3A_17 = tpu.memref_slice %arg2[%dma_start3A_15, %dma_start3A_16] : memref<1000000x128xf32, #tpu.memory_space<hbm>> -> memref<1000000x128xf32, #tpu.memory_space<hbm>>
    tpu.enqueue_indirect_dma source(%dma_start3A_17 : memref<1000000x128xf32, #tpu.memory_space<hbm>>) target(%arg6 : memref<400x128xf32, #tpu.memory_space<vmem>>) offsets(%dma_start3A_14 : memref<400xi32, #tpu.memory_space<vmem>>) semaphore(%arg7 : memref<!tpu.dma_semaphore, #tpu.memory_space<semaphore_mem>>)
    %dma_wait3A_18 = arith.constant 400 : i32
    %dma_wait3A_19 = tpu.memref_slice %arg5[%dma_wait3A_18] : memref<1600xi32, #tpu.memory_space<vmem>> -> memref<400xi32, #tpu.memory_space<vmem>>
    %dma_wait3A_20 = arith.constant 0 : i32
    %dma_wait3A_21 = arith.constant 0 : i32
    %dma_wait3A_22 = tpu.memref_slice %arg2[%dma_wait3A_20, %dma_wait3A_21] : memref<1000000x128xf32, #tpu.memory_space<hbm>> -> memref<1000000x128xf32, #tpu.memory_space<hbm>>
    tpu.wait_indirect_dma semaphore(%arg7 : memref<!tpu.dma_semaphore, #tpu.memory_space<semaphore_mem>>) src(%dma_wait3A_22 : memref<1000000x128xf32, #tpu.memory_space<hbm>>) dst(%arg6 : memref<400x128xf32, #tpu.memory_space<vmem>>)
    %add3A_23 = arith.constant 400 : i32
    %add3A_24 = arith.addi %mul3A_2, %add3A_23 : i32
    "tpu.region"() ({
      %run_scoped3A = tpu.sem_alloc : memref<!tpu.dma_semaphore, #tpu.memory_space<semaphore_mem>>
      %dma_start3A_49 = arith.constant 0 : i32
      %dma_start3A_50 = tpu.memref_slice %arg4[%add3A_24, %dma_start3A_49] : memref<51200x128xf32, #tpu.memory_space<hbm>> -> memref<400x128xf32, #tpu.memory_space<hbm>>
      %dma_start3A_51 = arith.constant 0 : i32
      %dma_start3A_52 = tpu.memref_slice %arg4[%add3A_24, %dma_start3A_51] : memref<51200x128xf32, #tpu.memory_space<hbm>> -> memref<400x128xf32, #tpu.memory_space<hbm>>
      tpu.enqueue_dma source(%arg6 : memref<400x128xf32, #tpu.memory_space<vmem>>) target(%dma_start3A_52 : memref<400x128xf32, #tpu.memory_space<hbm>>) target_semaphore(%run_scoped3A : memref<!tpu.dma_semaphore, #tpu.memory_space<semaphore_mem>>)
      %dma_wait3A_53 = arith.constant 0 : i32
      %dma_wait3A_54 = tpu.memref_slice %arg4[%add3A_24, %dma_wait3A_53] : memref<51200x128xf32, #tpu.memory_space<hbm>> -> memref<400x128xf32, #tpu.memory_space<hbm>>
      %dma_wait3A_55 = arith.constant 0 : i32
      %dma_wait3A_56 = tpu.memref_slice %arg4[%add3A_24, %dma_wait3A_55] : memref<51200x128xf32, #tpu.memory_space<hbm>> -> memref<400x128xf32, #tpu.memory_space<hbm>>
      tpu.wait_dma2 semaphore(%run_scoped3A : memref<!tpu.dma_semaphore, #tpu.memory_space<semaphore_mem>>) src(%arg6 : memref<400x128xf32, #tpu.memory_space<vmem>>) dst(%dma_wait3A_56 : memref<400x128xf32, #tpu.memory_space<hbm>>)
      tpu.yield
    }) : () -> ()
    %dma_start3A_25 = arith.constant 800 : i32
    %dma_start3A_26 = tpu.memref_slice %arg5[%dma_start3A_25] : memref<1600xi32, #tpu.memory_space<vmem>> -> memref<400xi32, #tpu.memory_space<vmem>>
    %dma_start3A_27 = arith.constant 0 : i32
    %dma_start3A_28 = arith.constant 0 : i32
    %dma_start3A_29 = tpu.memref_slice %arg2[%dma_start3A_27, %dma_start3A_28] : memref<1000000x128xf32, #tpu.memory_space<hbm>> -> memref<1000000x128xf32, #tpu.memory_space<hbm>>
    tpu.enqueue_indirect_dma source(%dma_start3A_29 : memref<1000000x128xf32, #tpu.memory_space<hbm>>) target(%arg6 : memref<400x128xf32, #tpu.memory_space<vmem>>) offsets(%dma_start3A_26 : memref<400xi32, #tpu.memory_space<vmem>>) semaphore(%arg7 : memref<!tpu.dma_semaphore, #tpu.memory_space<semaphore_mem>>)
    %dma_wait3A_30 = arith.constant 800 : i32
    %dma_wait3A_31 = tpu.memref_slice %arg5[%dma_wait3A_30] : memref<1600xi32, #tpu.memory_space<vmem>> -> memref<400xi32, #tpu.memory_space<vmem>>
    %dma_wait3A_32 = arith.constant 0 : i32
    %dma_wait3A_33 = arith.constant 0 : i32
    %dma_wait3A_34 = tpu.memref_slice %arg2[%dma_wait3A_32, %dma_wait3A_33] : memref<1000000x128xf32, #tpu.memory_space<hbm>> -> memref<1000000x128xf32, #tpu.memory_space<hbm>>
    tpu.wait_indirect_dma semaphore(%arg7 : memref<!tpu.dma_semaphore, #tpu.memory_space<semaphore_mem>>) src(%dma_wait3A_34 : memref<1000000x128xf32, #tpu.memory_space<hbm>>) dst(%arg6 : memref<400x128xf32, #tpu.memory_space<vmem>>)
    %add3A_35 = arith.constant 800 : i32
    %add3A_36 = arith.addi %mul3A_2, %add3A_35 : i32
    "tpu.region"() ({
      %run_scoped3A = tpu.sem_alloc : memref<!tpu.dma_semaphore, #tpu.memory_space<semaphore_mem>>
      %dma_start3A_49 = arith.constant 0 : i32
      %dma_start3A_50 = tpu.memref_slice %arg4[%add3A_36, %dma_start3A_49] : memref<51200x128xf32, #tpu.memory_space<hbm>> -> memref<400x128xf32, #tpu.memory_space<hbm>>
      %dma_start3A_51 = arith.constant 0 : i32
      %dma_start3A_52 = tpu.memref_slice %arg4[%add3A_36, %dma_start3A_51] : memref<51200x128xf32, #tpu.memory_space<hbm>> -> memref<400x128xf32, #tpu.memory_space<hbm>>
      tpu.enqueue_dma source(%arg6 : memref<400x128xf32, #tpu.memory_space<vmem>>) target(%dma_start3A_52 : memref<400x128xf32, #tpu.memory_space<hbm>>) target_semaphore(%run_scoped3A : memref<!tpu.dma_semaphore, #tpu.memory_space<semaphore_mem>>)
      %dma_wait3A_53 = arith.constant 0 : i32
      %dma_wait3A_54 = tpu.memref_slice %arg4[%add3A_36, %dma_wait3A_53] : memref<51200x128xf32, #tpu.memory_space<hbm>> -> memref<400x128xf32, #tpu.memory_space<hbm>>
      %dma_wait3A_55 = arith.constant 0 : i32
      %dma_wait3A_56 = tpu.memref_slice %arg4[%add3A_36, %dma_wait3A_55] : memref<51200x128xf32, #tpu.memory_space<hbm>> -> memref<400x128xf32, #tpu.memory_space<hbm>>
      tpu.wait_dma2 semaphore(%run_scoped3A : memref<!tpu.dma_semaphore, #tpu.memory_space<semaphore_mem>>) src(%arg6 : memref<400x128xf32, #tpu.memory_space<vmem>>) dst(%dma_wait3A_56 : memref<400x128xf32, #tpu.memory_space<hbm>>)
      tpu.yield
    }) : () -> ()
    %dma_start3A_37 = arith.constant 1200 : i32
    %dma_start3A_38 = tpu.memref_slice %arg5[%dma_start3A_37] : memref<1600xi32, #tpu.memory_space<vmem>> -> memref<400xi32, #tpu.memory_space<vmem>>
    %dma_start3A_39 = arith.constant 0 : i32
    %dma_start3A_40 = arith.constant 0 : i32
    %dma_start3A_41 = tpu.memref_slice %arg2[%dma_start3A_39, %dma_start3A_40] : memref<1000000x128xf32, #tpu.memory_space<hbm>> -> memref<1000000x128xf32, #tpu.memory_space<hbm>>
    tpu.enqueue_indirect_dma source(%dma_start3A_41 : memref<1000000x128xf32, #tpu.memory_space<hbm>>) target(%arg6 : memref<400x128xf32, #tpu.memory_space<vmem>>) offsets(%dma_start3A_38 : memref<400xi32, #tpu.memory_space<vmem>>) semaphore(%arg7 : memref<!tpu.dma_semaphore, #tpu.memory_space<semaphore_mem>>)
    %dma_wait3A_42 = arith.constant 1200 : i32
    %dma_wait3A_43 = tpu.memref_slice %arg5[%dma_wait3A_42] : memref<1600xi32, #tpu.memory_space<vmem>> -> memref<400xi32, #tpu.memory_space<vmem>>
    %dma_wait3A_44 = arith.constant 0 : i32
    %dma_wait3A_45 = arith.constant 0 : i32
    %dma_wait3A_46 = tpu.memref_slice %arg2[%dma_wait3A_44, %dma_wait3A_45] : memref<1000000x128xf32, #tpu.memory_space<hbm>> -> memref<1000000x128xf32, #tpu.memory_space<hbm>>
    tpu.wait_indirect_dma semaphore(%arg7 : memref<!tpu.dma_semaphore, #tpu.memory_space<semaphore_mem>>) src(%dma_wait3A_46 : memref<1000000x128xf32, #tpu.memory_space<hbm>>) dst(%arg6 : memref<400x128xf32, #tpu.memory_space<vmem>>)
    %add3A_47 = arith.constant 1200 : i32
    %add3A_48 = arith.addi %mul3A_2, %add3A_47 : i32
    "tpu.region"() ({
      %run_scoped3A = tpu.sem_alloc : memref<!tpu.dma_semaphore, #tpu.memory_space<semaphore_mem>>
      %dma_start3A_49 = arith.constant 0 : i32
      %dma_start3A_50 = tpu.memref_slice %arg4[%add3A_48, %dma_start3A_49] : memref<51200x128xf32, #tpu.memory_space<hbm>> -> memref<400x128xf32, #tpu.memory_space<hbm>>
      %dma_start3A_51 = arith.constant 0 : i32
      %dma_start3A_52 = tpu.memref_slice %arg4[%add3A_48, %dma_start3A_51] : memref<51200x128xf32, #tpu.memory_space<hbm>> -> memref<400x128xf32, #tpu.memory_space<hbm>>
      tpu.enqueue_dma source(%arg6 : memref<400x128xf32, #tpu.memory_space<vmem>>) target(%dma_start3A_52 : memref<400x128xf32, #tpu.memory_space<hbm>>) target_semaphore(%run_scoped3A : memref<!tpu.dma_semaphore, #tpu.memory_space<semaphore_mem>>)
      %dma_wait3A_53 = arith.constant 0 : i32
      %dma_wait3A_54 = tpu.memref_slice %arg4[%add3A_48, %dma_wait3A_53] : memref<51200x128xf32, #tpu.memory_space<hbm>> -> memref<400x128xf32, #tpu.memory_space<hbm>>
      %dma_wait3A_55 = arith.constant 0 : i32
      %dma_wait3A_56 = tpu.memref_slice %arg4[%add3A_48, %dma_wait3A_55] : memref<51200x128xf32, #tpu.memory_space<hbm>> -> memref<400x128xf32, #tpu.memory_space<hbm>>
      tpu.wait_dma2 semaphore(%run_scoped3A : memref<!tpu.dma_semaphore, #tpu.memory_space<semaphore_mem>>) src(%arg6 : memref<400x128xf32, #tpu.memory_space<vmem>>) dst(%dma_wait3A_56 : memref<400x128xf32, #tpu.memory_space<hbm>>)
      tpu.yield
    }) : () -> ()
    return
  }
}

module attributes {stable_mosaic.version = 14 : i64} {
  func.func @_xt_body(%arg0: memref<1024x50xi32, #tpu.memory_space<vmem>>, %arg1: memref<51200xi32, #tpu.memory_space<vmem>>) attributes {dimension_semantics = [], scalar_prefetch = 0 : i64, scratch_operands = 0 : i64, tpu.core_type = #tpu.core_type<tc>} {
    %get3A = arith.constant 0 : index
    %get3A_0 = arith.constant 0 : index
    %get3A_1 = vector.load %arg0[%get3A, %get3A_0] : memref<1024x50xi32, #tpu.memory_space<vmem>>, vector<1024x50xi32>
    %transpose3A = tpu.transpose %get3A_1, [1, 0] : vector<1024x50xi32> -> vector<50x1024xi32>
    %reshape3A = vector.shape_cast %transpose3A : vector<50x1024xi32> to vector<51200xi32>
    %swap3A = arith.constant 0 : index
    %swap3A_2 = vector.load %arg1[%swap3A] : memref<51200xi32, #tpu.memory_space<vmem>>, vector<51200xi32>
    tpu.vector_store %arg1[%swap3A], %reshape3A {strides = array<i32>} : memref<51200xi32, #tpu.memory_space<vmem>>, vector<51200xi32>,
    return
  }
}

module attributes {stable_mosaic.version = 14 : i64} {
  func.func @_lstm_body(%arg0: i32, %arg1: memref<1x1024x128xf32, #tpu.memory_space<vmem>>, %arg2: memref<64x512xf32, #tpu.memory_space<vmem>>, %arg3: memref<128x512xf32, #tpu.memory_space<vmem>>, %arg4: memref<1x512xf32, #tpu.memory_space<vmem>>, %arg5: memref<128x128xf32, #tpu.memory_space<vmem>>, %arg6: memref<1x128xf32, #tpu.memory_space<vmem>>, %arg7: memref<1024x128xf32, #tpu.memory_space<vmem>>, %arg8: memref<1024x128xf32, #tpu.memory_space<vmem>>, %arg9: memref<1024x128xf32, #tpu.memory_space<vmem>>) attributes {dimension_semantics = [#tpu.dimension_semantics<arbitrary>], iteration_bounds = array<i64: 50>, scalar_prefetch = 0 : i64, scratch_operands = 2 : i64, tpu.core_type = #tpu.core_type<tc>, window_params = [{transform_indices = @transform_0, window_bounds = array<i64: 1, 1024, 128>}, {pipeline_mode = #tpu.pipeline_mode<synchronous>, transform_indices = @transform_1, window_bounds = array<i64: 64, 512>}, {pipeline_mode = #tpu.pipeline_mode<synchronous>, transform_indices = @transform_2, window_bounds = array<i64: 128, 512>}, {pipeline_mode = #tpu.pipeline_mode<synchronous>, transform_indices = @transform_3, window_bounds = array<i64: 1, 512>}, {pipeline_mode = #tpu.pipeline_mode<synchronous>, transform_indices = @transform_4, window_bounds = array<i64: 128, 128>}, {pipeline_mode = #tpu.pipeline_mode<synchronous>, transform_indices = @transform_5, window_bounds = array<i64: 1, 128>}, {pipeline_mode = #tpu.pipeline_mode<synchronous>, transform_indices = @transform_6, window_bounds = array<i64: 1024, 128>}]} {
    %eq3A = arith.constant 0 : i32
    %eq3A_0 = arith.cmpi eq, %arg0, %eq3A : i32
    %convert_element_type3A = arith.extui %eq3A_0 : i1 to i32
    %cond3A = arith.constant 0 : i32
    %cond3A_1 = arith.cmpi ne, %convert_element_type3A, %cond3A : i32
    scf.if %cond3A_1 {
      %broadcast_in_dim3A = arith.constant 0.000000e+00 : f32
      %broadcast_in_dim3A_61 = vector.broadcast %broadcast_in_dim3A : f32 to vector<1024x128xf32>
      %swap3A_62 = arith.constant 0 : index
      %swap3A_63 = arith.constant 0 : index
      %swap3A_64 = vector.load %arg8[%swap3A_62, %swap3A_63] : memref<1024x128xf32, #tpu.memory_space<vmem>>, vector<1024x128xf32>
      tpu.vector_store %arg8[%swap3A_62, %swap3A_63], %broadcast_in_dim3A_61 {strides = array<i32>} : memref<1024x128xf32, #tpu.memory_space<vmem>>, vector<1024x128xf32>,
      %broadcast_in_dim3A_65 = arith.constant 0.000000e+00 : f32
      %broadcast_in_dim3A_66 = vector.broadcast %broadcast_in_dim3A_65 : f32 to vector<1024x128xf32>
      %swap3A_67 = arith.constant 0 : index
      %swap3A_68 = arith.constant 0 : index
      %swap3A_69 = vector.load %arg9[%swap3A_67, %swap3A_68] : memref<1024x128xf32, #tpu.memory_space<vmem>>, vector<1024x128xf32>
      tpu.vector_store %arg9[%swap3A_67, %swap3A_68], %broadcast_in_dim3A_66 {strides = array<i32>} : memref<1024x128xf32, #tpu.memory_space<vmem>>, vector<1024x128xf32>,
    } else {
    }
    %get3A = arith.constant 0 : index
    %get3A_2 = arith.constant 0 : index
    %get3A_3 = arith.constant 0 : index
    %get3A_4 = vector.load %arg1[%get3A, %get3A_2, %get3A_3] : memref<1x1024x128xf32, #tpu.memory_space<vmem>>, vector<1x1024x128xf32>
    %get3A_5 = vector.shape_cast %get3A_4 : vector<1x1024x128xf32> to vector<1024x128xf32>
    %slice3A = vector.extract_strided_slice %get3A_5 {offsets = [0, 0], sizes = [1024, 64], strides = [1, 1]} : vector<1024x128xf32> to vector<1024x64xf32>
    %get3A_6 = arith.constant 0 : index
    %get3A_7 = arith.constant 0 : index
    %get3A_8 = vector.load %arg2[%get3A_6, %get3A_7] : memref<64x512xf32, #tpu.memory_space<vmem>>, vector<64x512xf32>
    %dot_general3A = arith.constant dense<0.000000e+00> : vector<1024x512xf32>
    %dot_general3A_9 = tpu.matmul %slice3A, %get3A_8, %dot_general3A {dimension_numbers = #tpu.dot_dimension_numbers<[1], [0], [0], [1], [0, 0, 1, 1], [], []>, transpose_lhs_hint = false} : vector<1024x64xf32>, vector<64x512xf32>, vector<1024x512xf32> -> vector<1024x512xf32>
    %get3A_10 = arith.constant 0 : index
    %get3A_11 = arith.constant 0 : index
    %get3A_12 = vector.load %arg8[%get3A_10, %get3A_11] : memref<1024x128xf32, #tpu.memory_space<vmem>>, vector<1024x128xf32>
    %get3A_13 = arith.constant 0 : index
    %get3A_14 = arith.constant 0 : index
    %get3A_15 = vector.load %arg3[%get3A_13, %get3A_14] : memref<128x512xf32, #tpu.memory_space<vmem>>, vector<128x512xf32>
    %dot_general3A_16 = arith.constant dense<0.000000e+00> : vector<1024x512xf32>
    %dot_general3A_17 = tpu.matmul %get3A_12, %get3A_15, %dot_general3A_16 {dimension_numbers = #tpu.dot_dimension_numbers<[1], [0], [0], [1], [0, 0, 1, 1], [], []>, transpose_lhs_hint = false} : vector<1024x128xf32>, vector<128x512xf32>, vector<1024x512xf32> -> vector<1024x512xf32>
    %add3A = arith.addf %dot_general3A_9, %dot_general3A_17 : vector<1024x512xf32>
    %get3A_18 = arith.constant 0 : index
    %get3A_19 = arith.constant 0 : index
    %get3A_20 = vector.load %arg4[%get3A_18, %get3A_19] : memref<1x512xf32, #tpu.memory_space<vmem>>, vector<1x512xf32>
    %add3A_21 = vector.broadcast %get3A_20 : vector<1x512xf32> to vector<1024x512xf32>
    %add3A_22 = arith.addf %add3A, %add3A_21 : vector<1024x512xf32>
    %slice3A_23 = vector.extract_strided_slice %add3A_22 {offsets = [0, 0], sizes = [1024, 128], strides = [1, 1]} : vector<1024x512xf32> to vector<1024x128xf32>
    %logistic3A = arith.negf %slice3A_23 : vector<1024x128xf32>
    %logistic3A_24 = math.exp %logistic3A : vector<1024x128xf32>
    %logistic3A_25 = arith.constant 1.000000e+00 : f32
    %logistic3A_26 = vector.broadcast %logistic3A_25 : f32 to vector<1024x128xf32>
    %logistic3A_27 = arith.addf %logistic3A_26, %logistic3A_24 : vector<1024x128xf32>
    %logistic3A_28 = arith.divf %logistic3A_26, %logistic3A_27 : vector<1024x128xf32>
    %slice3A_29 = vector.extract_strided_slice %add3A_22 {offsets = [0, 128], sizes = [1024, 128], strides = [1, 1]} : vector<1024x512xf32> to vector<1024x128xf32>
    %logistic3A_30 = arith.negf %slice3A_29 : vector<1024x128xf32>
    %logistic3A_31 = math.exp %logistic3A_30 : vector<1024x128xf32>
    %logistic3A_32 = arith.constant 1.000000e+00 : f32
    %logistic3A_33 = vector.broadcast %logistic3A_32 : f32 to vector<1024x128xf32>
    %logistic3A_34 = arith.addf %logistic3A_33, %logistic3A_31 : vector<1024x128xf32>
    %logistic3A_35 = arith.divf %logistic3A_33, %logistic3A_34 : vector<1024x128xf32>
    %slice3A_36 = vector.extract_strided_slice %add3A_22 {offsets = [0, 256], sizes = [1024, 128], strides = [1, 1]} : vector<1024x512xf32> to vector<1024x128xf32>
    %tanh3A = math.tanh %slice3A_36 : vector<1024x128xf32>
    %slice3A_37 = vector.extract_strided_slice %add3A_22 {offsets = [0, 384], sizes = [1024, 128], strides = [1, 1]} : vector<1024x512xf32> to vector<1024x128xf32>
    %logistic3A_38 = arith.negf %slice3A_37 : vector<1024x128xf32>
    %logistic3A_39 = math.exp %logistic3A_38 : vector<1024x128xf32>
    %logistic3A_40 = arith.constant 1.000000e+00 : f32
    %logistic3A_41 = vector.broadcast %logistic3A_40 : f32 to vector<1024x128xf32>
    %logistic3A_42 = arith.addf %logistic3A_41, %logistic3A_39 : vector<1024x128xf32>
    %logistic3A_43 = arith.divf %logistic3A_41, %logistic3A_42 : vector<1024x128xf32>
    %get3A_44 = arith.constant 0 : index
    %get3A_45 = arith.constant 0 : index
    %get3A_46 = vector.load %arg9[%get3A_44, %get3A_45] : memref<1024x128xf32, #tpu.memory_space<vmem>>, vector<1024x128xf32>
    %mul3A = arith.mulf %logistic3A_35, %get3A_46 : vector<1024x128xf32>
    %mul3A_47 = arith.mulf %logistic3A_28, %tanh3A : vector<1024x128xf32>
    %add3A_48 = arith.addf %mul3A, %mul3A_47 : vector<1024x128xf32>
    %swap3A = arith.constant 0 : index
    %swap3A_49 = arith.constant 0 : index
    %swap3A_50 = vector.load %arg9[%swap3A, %swap3A_49] : memref<1024x128xf32, #tpu.memory_space<vmem>>, vector<1024x128xf32>
    tpu.vector_store %arg9[%swap3A, %swap3A_49], %add3A_48 {strides = array<i32>} : memref<1024x128xf32, #tpu.memory_space<vmem>>, vector<1024x128xf32>,
    %tanh3A_51 = math.tanh %add3A_48 : vector<1024x128xf32>
    %mul3A_52 = arith.mulf %logistic3A_43, %tanh3A_51 : vector<1024x128xf32>
    %swap3A_53 = arith.constant 0 : index
    %swap3A_54 = arith.constant 0 : index
    %swap3A_55 = vector.load %arg8[%swap3A_53, %swap3A_54] : memref<1024x128xf32, #tpu.memory_space<vmem>>, vector<1024x128xf32>
    tpu.vector_store %arg8[%swap3A_53, %swap3A_54], %mul3A_52 {strides = array<i32>} : memref<1024x128xf32, #tpu.memory_space<vmem>>, vector<1024x128xf32>,
    %eq3A_56 = arith.constant 49 : i32
    %eq3A_57 = arith.cmpi eq, %arg0, %eq3A_56 : i32
    %convert_element_type3A_58 = arith.extui %eq3A_57 : i1 to i32
    %cond3A_59 = arith.constant 0 : i32
    %cond3A_60 = arith.cmpi ne, %convert_element_type3A_58, %cond3A_59 : i32
    scf.if %cond3A_60 {
      %get3A_61 = arith.constant 0 : index
      %get3A_62 = arith.constant 0 : index
      %get3A_63 = vector.load %arg5[%get3A_61, %get3A_62] : memref<128x128xf32, #tpu.memory_space<vmem>>, vector<128x128xf32>
      %dot_general3A_64 = arith.constant dense<0.000000e+00> : vector<1024x128xf32>
      %dot_general3A_65 = tpu.matmul %mul3A_52, %get3A_63, %dot_general3A_64 {dimension_numbers = #tpu.dot_dimension_numbers<[1], [0], [0], [1], [0, 0, 1, 1], [], []>, transpose_lhs_hint = false} : vector<1024x128xf32>, vector<128x128xf32>, vector<1024x128xf32> -> vector<1024x128xf32>
      %get3A_66 = arith.constant 0 : index
      %get3A_67 = arith.constant 0 : index
      %get3A_68 = vector.load %arg6[%get3A_66, %get3A_67] : memref<1x128xf32, #tpu.memory_space<vmem>>, vector<1x128xf32>
      %add3A_69 = vector.broadcast %get3A_68 : vector<1x128xf32> to vector<1024x128xf32>
      %add3A_70 = arith.addf %dot_general3A_65, %add3A_69 : vector<1024x128xf32>
      %swap3A_71 = arith.constant 0 : index
      %swap3A_72 = arith.constant 0 : index
      %swap3A_73 = vector.load %arg7[%swap3A_71, %swap3A_72] : memref<1024x128xf32, #tpu.memory_space<vmem>>, vector<1024x128xf32>
      tpu.vector_store %arg7[%swap3A_71, %swap3A_72], %add3A_70 {strides = array<i32>} : memref<1024x128xf32, #tpu.memory_space<vmem>>, vector<1024x128xf32>,
    } else {
    }
    return
  }
  func.func @transform_0(%arg0: i32) -> (i32, i32, i32) {
    %c0_i32 = arith.constant 0 : i32
    %c0_i32_0 = arith.constant 0 : i32
    %c0_i32_1 = arith.constant 0 : i32
    return %arg0, %c0_i32, %c0_i32_0 : i32, i32, i32
  }
  func.func @transform_1(%arg0: i32) -> (i32, i32) {
    %c0_i32 = arith.constant 0 : i32
    %c0_i32_0 = arith.constant 0 : i32
    %c0_i32_1 = arith.constant 0 : i32
    return %c0_i32, %c0_i32_0 : i32, i32
  }
  func.func @transform_2(%arg0: i32) -> (i32, i32) {
    %c0_i32 = arith.constant 0 : i32
    %c0_i32_0 = arith.constant 0 : i32
    %c0_i32_1 = arith.constant 0 : i32
    return %c0_i32, %c0_i32_0 : i32, i32
  }
  func.func @transform_3(%arg0: i32) -> (i32, i32) {
    %c0_i32 = arith.constant 0 : i32
    %c0_i32_0 = arith.constant 0 : i32
    %c0_i32_1 = arith.constant 0 : i32
    return %c0_i32, %c0_i32_0 : i32, i32
  }
  func.func @transform_4(%arg0: i32) -> (i32, i32) {
    %c0_i32 = arith.constant 0 : i32
    %c0_i32_0 = arith.constant 0 : i32
    %c0_i32_1 = arith.constant 0 : i32
    return %c0_i32, %c0_i32_0 : i32, i32
  }
  func.func @transform_5(%arg0: i32) -> (i32, i32) {
    %c0_i32 = arith.constant 0 : i32
    %c0_i32_0 = arith.constant 0 : i32
    %c0_i32_1 = arith.constant 0 : i32
    return %c0_i32, %c0_i32_0 : i32, i32
  }
  func.func @transform_6(%arg0: i32) -> (i32, i32) {
    %c0_i32 = arith.constant 0 : i32
    %c0_i32_0 = arith.constant 0 : i32
    %c0_i32_1 = arith.constant 0 : i32
    return %c0_i32, %c0_i32_0 : i32, i32
  }
}

</mosaic_0001>

<sc_bundles>
// kernel: kernel.5.cloned.1.call-start
scs
__scs_entry_jumppad:
0x0: {  	(pc) =	sbr.rel $0x88, $3  }
0x1: {  	(tag) =	ssettag $0x0;
	lr =	simm.s32 $0x1  }
0x2: {  	[smem:$0x3F99] =	sst lr;
	_ =	strace $0xD0000000  }
0x3: {  	_ = 	snop  }
0x4: {  	_ = 	snop  }
0x5: {  	_ = 	snop  }
0x6: {  	_ = 	snop  }
0x7: {  	_ = 	snop  }
__scs_overlays_trampoline_lowered:
0x8: {  	[smem:$0x3FA8] =	sst s0  }
0x9: {  	[smem:$0x3FA9] =	sst s1  }
0xa: {  	[smem:$0x3FAA] =	sst s2  }
0xb: {  	[smem:$0x3FAB] =	sst s3  }
0xc: {  	[smem:$0x3FAC] =	sst s4  }
0xd: {  	[smem:$0x3FAD] =	sst s5  }
0xe: {  	[smem:$0x3FAE] =	sst s6  }
0xf: {  	[smem:$0x3FAF] =	sst s7  }
0x10: {  	[smem:$0x3FB0] =	sst s8  }
0x11: {  	[smem:$0x3FB1] =	sst s9;
	s0 =	simm.s32 @!p0 $0x0  }
0x12: {  	s1 =	sld [smem:$0x3F97];
	s0 =	simm.s32 @p0 $0x1  }
0x13: {  	[smem:$0x3FB2] =	sst s0;
	s0 =	simm.s32 @!p1 $0x0  }
0x14: {  	s2 =	sld [smem:$0x3F96];
	s0 =	simm.s32 @p1 $0x1  }
0x15: {  	[smem:$0x3FB3] =	sst s0;
	s0 =	simm.s32 @!p2 $0x0  }
0x16: {  	s3 =	sld [smem:$0x3FDB];
	s0 =	simm.s32 @p2 $0x1  }
0x17: {  	s4 =	simm.s32 $0x1BF5;
	[smem:$0x3FB5] =	sst s0  }
0x18: {  	s0 =	sld [smem:$0x3F98];
	_ =	swait.ge [sflag:s4], $0x0  }
0x19: {  	s7 =	sld [smem:$0x3F99]  }
0x1a: {  	s8 =	sadd.s32 $0xFFFFE003, lr  }
0x1b: {  	s9 =	sadd.s32 $0xFFFFFEF7, lr;
	s5 =	simm.s32 $0xFFFFFFFF;
	p2 =	slt.u32 s8, $0xFFFFF086  }
0x1c: {  	p1 =	slt.u32 s9, $0xF7A;
	s5 =	simm.s32 @!p2 $0x0  }
0x1d: {  	s5 =	simm.s32 @p1 $0x1;
	p0 =	seq.s32 s7, s2  }
0x1e: {  	s7 =	smul.u32 @!p0 $0xF7A, s2;
	p2 =	seq.s32 @!p0 s5, $0x0  }
0x1f: {  	s9 =	smul.u32 $0xF7A, s1;
	s8 =	simm.s32 @!p0 $0x1BF5;
	p2 =	por !p2, p0  }
0x20: {  	[sflag:s8] =	ssyncset.s32 @!p0 $0xFFFFF086;
	s6 =	sadd.s32 @!p0 s3, s7;
	s7 =	simm.s32 @!p0 $0x108  }
0x21: {  	s3 =	sadd.s32 s3, s9;
	s6 =	sadd.s32 @!p0 $0x88, s6;
	s7 =	simm.s32 @p2 $0x1082  }
0x22: {  	[simem:s7], [sflag:s8] =	dma.local @!p0 [hbm:s6], $0xF7A  }
0x23: {  	s9 =	sor.u32 $0xD0000000, s2;
	s6 =	simm.s32 $0x108;
	_ =	swait.ge @!p0 [sflag:s8], $0x0  }
0x24: {  	s3 =	sadd.s32 $0x88, s3;
	s6 =	simm.s32 @!p1 $0x1082;
	[sflag:s4] =	ssyncset.s32 $0xFFFFF086  }
0x25: {  	[simem:s6], [sflag:s4] =	dma.local [hbm:s3], $0xF7A  }
0x26: {  	[smem:$0x3F99] =	sst s1;
	(tag) =	ssettag s2;
	_ =	strace s9  }
0x27: {  	s1 =	sld [smem:$0x3FA9]  }
0x28: {  	s2 =	sld [smem:$0x3FAA]  }
0x29: {  	s4 =	sld [smem:$0x3FAC]  }
0x2a: {  	p0 =	seq.s32 s5, $0x0;
	s5 =	sld [smem:$0x3FAD]  }
0x2b: {  	s6 =	sld [smem:$0x3FAE]  }
0x2c: {  	s7 =	sld [smem:$0x3FAF]  }
0x2d: {  	s3 =	simm.s32 $0x108;
	s8 =	sld [smem:$0x3FB0]  }
0x2e: {  	s3 =	simm.s32 @!p0 $0x1082;
	s9 =	sld [smem:$0x3FB1]  }
0x2f: {  	lr =	sadd.s32 s0, s3;
	s0 =	sld [smem:$0x3FA8]  }
0x30: {  	s3 =	sld [smem:$0x3FAB]  }
0x31: {  	[smem:$0x3FB4] =	sst s10  }
0x32: {  	s10 =	sld [smem:$0x3FB2];
	_ =	sdelay $0x3  }
0x33: {  	p0 =	seq.s32 s10, $0x1;
	s10 =	sld [smem:$0x3FB4];
	_ =	sdelay $0x3  }
0x34: {  	[smem:$0x3FB4] =	sst s10  }
0x35: {  	s10 =	sld [smem:$0x3FB3];
	_ =	sdelay $0x3  }
0x36: {  	p1 =	seq.s32 s10, $0x1;
	s10 =	sld [smem:$0x3FB4];
	_ =	sdelay $0x3  }
0x37: {  	[smem:$0x3FB4] =	sst s10  }
0x38: {  	s10 =	sld [smem:$0x3FB5]  }
0x39: {  	_ = 	snop;
	(pc) =	sbr.ind lr, $3  }
0x3a: {  	_ = 	snop  }
0x3b: {  	_ = 	snop  }
0x3c: {  	p2 =	seq.s32 s10, $0x1;
	s10 =	sld [smem:$0x3FB4]  }
0x3d: {  	_ =	shalt  }
0x3e: {  	_ =	shalt  }
0x3f: {  	_ =	shalt  }
0x40: {  	_ =	shalt  }
0x41: {  	_ =	shalt  }
0x42: {  	_ =	shalt  }
0x43: {  	_ =	shalt  }
0x44: {  	_ =	shalt  }
0x45: {  	_ =	shalt  }
0x46: {  	_ =	shalt  }
0x47: {  	_ =	shalt  }
0x48: {  	_ =	shalt  }
0x49: {  	_ =	shalt  }
0x4a: {  	_ =	shalt  }
0x4b: {  	_ =	shalt  }
0x4c: {  	_ =	shalt  }
0x4d: {  	_ =	shalt  }
0x4e: {  	_ =	shalt  }
0x4f: {  	_ =	shalt  }
0x50: {  	_ =	shalt  }
0x51: {  	_ =	shalt  }
0x52: {  	_ =	shalt  }
0x53: {  	_ =	shalt  }
0x54: {  	_ =	shalt  }
0x55: {  	_ =	shalt  }
0x56: {  	_ =	shalt  }
0x57: {  	_ =	shalt  }
0x58: {  	_ =	shalt  }
0x59: {  	_ =	shalt  }
0x5a: {  	_ =	shalt  }
0x5b: {  	_ =	shalt  }
0x5c: {  	_ =	shalt  }
0x5d: {  	_ =	shalt  }
0x5e: {  	_ =	shalt  }
0x5f: {  	_ =	shalt  }
0x60: {  	_ =	shalt  }
0x61: {  	_ =	shalt  }
0x62: {  	_ =	shalt  }
0x63: {  	_ =	shalt  }
0x64: {  	_ =	shalt  }
0x65: {  	_ =	shalt  }
0x66: {  	_ =	shalt  }
0x67: {  	_ =	shalt  }
0x68: {  	_ =	shalt  }
0x69: {  	_ =	shalt  }
0x6a: {  	_ =	shalt  }
0x6b: {  	_ =	shalt  }
0x6c: {  	_ =	shalt  }
0x6d: {  	_ =	shalt  }
0x6e: {  	_ =	shalt  }
0x6f: {  	_ =	shalt  }
0x70: {  	_ =	shalt  }
0x71: {  	_ =	shalt  }
0x72: {  	_ =	shalt  }
0x73: {  	_ =	shalt  }
0x74: {  	_ =	shalt  }
0x75: {  	_ =	shalt  }
0x76: {  	_ =	shalt  }
0x77: {  	_ =	shalt  }
0x78: {  	_ =	shalt  }
0x79: {  	_ =	shalt  }
0x7a: {  	_ =	shalt  }
0x7b: {  	_ =	shalt  }
0x7c: {  	_ =	shalt  }
0x7d: {  	_ =	shalt  }
0x7e: {  	_ =	shalt  }
0x7f: {  	_ =	shalt  }
0x80: {  	_ =	shalt  }
0x81: {  	_ =	shalt  }
0x82: {  	_ =	shalt  }
0x83: {  	_ =	shalt  }
0x84: {  	_ =	shalt  }
0x85: {  	_ =	shalt  }
0x86: {  	_ =	shalt  }
0x87: {  	_ =	shalt  }
.Lfunc_end0:
.L_simem_size_0:
called_computation_lowered:
.L_overlay_start_0:
0x88: {  	s2 =	sld [smem:$0x3FD9]  }
0x89: {  	s3 =	sld [smem:$0x3FFE];
	_ =	sdelay $0x1  }
0x8a: {  	s1 =	srdreg.scid  }
0x8b: {  	s0 =	sand.u32 $0x1, s1  }
0x8c: {  	s17 =	sshll.u32 s0, $0xA;
	s2 =	sadd.s32 s3, s2  }
0x8d: {  	s2 =	sadd.s32 s2, s17  }
0x8e: {  	[smem:$0x3FC0] =	sst s2  }
0x8f: {  	_ = 	snop  }
0x90: {  	s2 =	sld [smem:$0x3FD0];
	(tm) =	ssettm $0x1  }
0x91: {  	s18 =	sld [smem:$0x3FFB];
	_ =	sdelay $0x3  }
0x92: {  	_ =	strace s18  }
0x93: {  	s3 =	sld [smem:$0x3FFC];
	_ =	sdelay $0x3  }
0x94: {  	_ =	strace s3  }
0x95: {  	s3 =	sld [smem:$0x3FFD];
	_ =	sdelay $0x3  }
0x96: {  	_ =	strace s3  }
0x97: {  	_ =	strace $0x8FFFFFFF  }
0x98: {  	s19 =	sld [smem:$0x3FDB];
	_ =	sdelay $0x1  }
0x99: {  	s4 =	simm.s32 $_scs_section_size  }
0x9a: {  	s5 =	simm.s32 $_size__tile_overlayer_lowered;
	s6 =	simm.s32 $_tile_overlayer_lowered  }
0x9b: {  	s22 =	simm.s32 $0x1BFF;
	s21 =	sshll.u32 s6, $0x1;
	s3 =	sadd.s32 s4, s19  }
0x9c: {  	s7 =	simm.s32 $0x0;
	s20 =	sshll.u32 s5, $0x1;
	s5 =	sadd.s32 s21, s3  }
0x9d: {  	[timem:s7], [sflag:s22] =	dma.local [hbm:s5], s20  }
0x9e: {  	_ =	swait.ge [sflag:s22], s20  }
0x9f: {  	s4 =	ssub.s32 $0x0, s20;
	[sflag:s22] =	ssyncset.done $0x0  }
0xa0: {  	[sflag:s22] =	ssyncadd.s32 s4;
	_ =	sdelay $0x1  }
0xa1: {  	s23 =	simm.s32 $0x1B8B  }
0xa2: {  	_ =	swait.ge [sflag:s23], $0x1  }
0xa3: {  	[sflag:s23] =	ssyncset.done $0x0  }
0xa4: {  	s25 =	simm.s32 $0x1B8E;
	s24 =	sld [smem:$0x3FFE];
	[sflag:s23] =	ssyncadd.s32 $0xFFFFFFFF  }
0xa5: {  	s26 =	simm.s32 $execute0_lowered;
	[smem:$0x3FD2] =	sst s25  }
0xa6: {  	s5 =	sshll.u32 s26, $0x1;
	_ =	strace $0x80000046;
	[dreg:$0x1] =	wrdreg $0xFFFFFFFF  }
0xa7: {  	s28 =	simm.s32 $_size_execute0_lowered;
	s3 =	sadd.s32 s3, s5;
	[dreg:$0x0] =	wrdreg $0x0  }
0xa8: {  	s5 =	sshll.u32 s28, $0x1;
	[dreg:$0x2] =	wrdreg s3  }
0xa9: {  	[dreg:$0x3] =	wrdreg s5  }
0xaa: {  	[dreg:$0x4] =	wrdreg $0xC0  }
0xab: {  	_ =	task [dreg:s7], $0x5FFFF  }
0xac: {  	[dreg:$0x1] =	wrdreg $0xFFFFFFFF  }
0xad: {  	[dreg:$0x0] =	wrdreg $0x60  }
0xae: {  	[dreg:$0x2] =	wrdreg s24  }
0xaf: {  	[dreg:$0x3] =	wrdreg s2  }
0xb0: {  	[dreg:$0x4] =	wrdreg $0x9  }
0xb1: {  	_ =	task.clear_ibuf [dreg:s7], $0x5FFFF;
	_ =	strace $0x90000046  }
0xb2: {  	s29 =	simm.s32 $0x9;
	_ =	strace $0x80000048  }
0xb3: {  	_ =	swait.ge [sflag:s29], $0x1  }
0xb4: {  	[sflag:s29] =	ssyncadd.s32 $0xFFFFFFFF  }
0xb5: {  	_ =	strace $0x90000048  }
0xb6: {  	_ =	sfence  }
0xb7: {  	s30 =	sld [smem:$0x0];
	_ =	sdelay $0x2  }
0xb8: {  	s31 =	sshll.u32 s1, $0xD;
	s1 =	sshrl.u32 s1, $0x2  }
0xb9: {  	s3 =	sand.u32 $0x4000, s31;
	s1 =	sadd.s32 s1, s30  }
0xba: {  	s0 =	sor.u32 s3, s0;
	s1 =	sshll.u32 s1, $0x11  }
0xbb: {  	s0 =	sor.u32 s1, s0  }
0xbc: {  	s0 =	sadd.s32 $0x8F2B, s0  }
0xbd: {  	[sflag:s0] =	ssyncadd.remote.s32 $0x1  }
0xbe: {  	_ =	sfence.sel $0xFFFF  }
0xbf: {  	[dreg:$0x0] =	wrdreg $0xFFFFFFFF;
	(pc) =	sbr.abs _section_cstart, $3  }
0xc0: {  	[dreg:$0x1] =	wrdreg $0xFFFFFFFF  }
0xc1: {  	_ =	task.clear_ibuf [dreg:s7], $0x2FFFF;
	_ =	strace $0x9FFFFFFF  }
0xc2: {  	(tm) =	ssettm $0x7FFFFFFF  }
0xc3: {  	_ =	shalt  }
tec
execute0_lowered:
.L_overlay_start_1:
0x0: {  	(tag) =	ssettag $0x1  }
0x1: {  	s1 =	srdreg.scid;
	s0 =	stileid.u32  }
0x2: {  	s9 =	rddreg [dreg:$0x0];
	s13 =	sand.u32 $0x1, s1;
	s31 =	sshll.u32 s0, $0x1  }
0x3: {  	s3 =	rddreg [dreg:$0x1];
	s10 =	sor.u32 s13, s31  }
0x4: {  	s2 =	simm.s32 $0x0;
	s1 =	rddreg [dreg:$0x2];
	s4 =	smul.u32 $0xC8, s10  }
0x5: {  	[smem:$0x7FF] =	sst s2  }
0x6: {  	_ =	strace $0x80000047;
	s4 =	sadd.s32 s3, s4;
	s3 =	simm.s32 $0x2  }
0x7: {  	[tilespmem:s2], [sflag:$0x2] =	stream.linear.gather [hbm4b:s4+s2], $0x640, $0x38;
	[tilespmem:$0xCE40] =	vst v63  }
0x8: {  	_ =	swait.ge [sflag:s3], $0x640  }
0x9: {  	s6 =	simm.s32 $0x190;
	s7 =	simm.s32 $0x640;
	[sflag:s3] =	ssyncset.done $0x0  }
0xa: {  	s8 =	simm.s32 $0x1;
	s5 =	sadd.s32 $0xF43800, s9;
	[sflag:s3] =	ssyncadd.s32 $0xFFFFF9C0  }
0xb: {  	[tilespmem:s7], [sflag:$0x1] =	stream.indirect.gather [hbm4b:s5+s6], $0x80, s2, s6, $0xb8;
	[tilespmem:$0xCE40] =	vst v63  }
0xc: {  	s11 =	smul.u32 $0x6400, s10;
	_ =	swait.ge [sflag:s8], $0xC800  }
0xd: {  	s12 =	sadd.s32 $0x1400, s9;
	[sflag:s8] =	ssyncset.done $0x0  }
0xe: {  	s9 =	sadd.s32 s12, s11;
	[sflag:s8] =	ssyncadd.s32 $0xFFFF3800  }
0xf: {  	[hbm4b:s9+s2] =	stream.linear.scatter [tilespmem:s7], [sflag:$0x2], $0xC800, $0x38;
	[tilespmem:$0xCE40] =	vst v63  }
0x10: {  	_ =	swait.ge [sflag:s3], $0xC800  }
0x11: {  	[sflag:s3] =	ssyncset.done $0x0  }
0x12: {  	s10 =	smul.u32 $0x32000, s10;
	[sflag:s3] =	ssyncadd.s32 $0xFFFF3800  }
0x13: {  	[tilespmem:s7], [sflag:$0x1] =	stream.indirect.gather [hbm4b:s5+s6], $0x80, s6, s6, $0xb8;
	[tilespmem:$0xCE40] =	vst v63  }
0x14: {  	s10 =	sshrl.u32 s10, $0x3;
	_ =	swait.ge [sflag:s8], $0xC800  }
0x15: {  	s14 =	sadd.s32 s12, s10;
	[sflag:s8] =	ssyncset.done $0x0  }
0x16: {  	s10 =	sadd.s32 $0x1900, s14;
	[sflag:s8] =	ssyncadd.s32 $0xFFFF3800  }
0x17: {  	[hbm4b:s10+s2] =	stream.linear.scatter [tilespmem:s7], [sflag:$0x2], $0xC800, $0x38;
	[tilespmem:$0xCE40] =	vst v63  }
0x18: {  	_ =	swait.ge [sflag:s3], $0xC800  }
0x19: {  	[sflag:s3] =	ssyncset.done $0x0  }
0x1a: {  	s11 =	simm.s32 $0x320;
	[sflag:s3] =	ssyncadd.s32 $0xFFFF3800  }
0x1b: {  	[tilespmem:s7], [sflag:$0x1] =	stream.indirect.gather [hbm4b:s5+s6], $0x80, s11, s6, $0xb8;
	[tilespmem:$0xCE40] =	vst v63  }
0x1c: {  	_ =	swait.ge [sflag:s8], $0xC800  }
0x1d: {  	[sflag:s8] =	ssyncset.done $0x0  }
0x1e: {  	s15 =	ssub.s32 $0x2, s13;
	s12 =	sadd.s32 $0x3200, s14;
	[sflag:s8] =	ssyncadd.s32 $0xFFFF3800  }
0x1f: {  	[hbm4b:s12+s2] =	stream.linear.scatter [tilespmem:s7], [sflag:$0x2], $0xC800, $0x38;
	[tilespmem:$0xCE40] =	vst v63  }
0x20: {  	s16 =	sshrl.u32 s15, $0x1;
	_ =	swait.ge [sflag:s3], $0xC800  }
0x21: {  	s15 =	ssub.s32 s15, s16;
	[sflag:s3] =	ssyncset.done $0x0  }
0x22: {  	s13 =	simm.s32 $0x4B0;
	s15 =	smax.u32 s15, $0x1;
	[sflag:s3] =	ssyncadd.s32 $0xFFFF3800  }
0x23: {  	[tilespmem:s7], [sflag:$0x1] =	stream.indirect.gather [hbm4b:s5+s6], $0x80, s13, s6, $0xb8;
	[tilespmem:$0xCE40] =	vst v63  }
0x24: {  	p0 =	sne.s32 s15, $0x1;
	_ =	swait.ge [sflag:s8], $0xC800  }
.Ltmp0:
0x25: {  	[sflag:s8] =	ssyncset.done $0x0;
	(pc) =	sbr.rel @!p0 .LBB2_2-.Ltmp0, $4  }
0x26: {  	s14 =	sadd.s32 $0x4B00, s14;
	[sflag:s8] =	ssyncadd.s32 $0xFFFF3800  }
0x27: {  	[hbm4b:s14+s2] =	stream.linear.scatter [tilespmem:s7], [sflag:$0x2], $0xC800, $0x38;
	[tilespmem:$0xCE40] =	vst v63  }
0x28: {  	_ =	swait.ge [sflag:s3], $0xC800  }
0x29: {  	s15 =	sadd.s32 $0xFFFFFFFF, s15;
	[sflag:s3] =	ssyncset.done $0x0  }
.LBB2_1:
0x2a: {  	p0 =	sne.s32 s15, $0x1;
	s15 =	sadd.s32 $0xFFFFFFFF, s15;
	[sflag:s3] =	ssyncadd.s32 $0xFFFF3800  }
0x2b: {  	[tilespmem:s2], [sflag:$0x2] =	stream.linear.gather [hbm4b:s4+s2], $0x640, $0x38;
	[tilespmem:$0xCE40] =	vst v63  }
0x2c: {  	_ =	swait.ge [sflag:s3], $0x640  }
0x2d: {  	[sflag:s3] =	ssyncset.done $0x0  }
0x2e: {  	[sflag:s3] =	ssyncadd.s32 $0xFFFFF9C0  }
0x2f: {  	[tilespmem:s7], [sflag:$0x1] =	stream.indirect.gather [hbm4b:s5+s6], $0x80, s2, s6, $0xb8;
	[tilespmem:$0xCE40] =	vst v63  }
0x30: {  	_ =	swait.ge [sflag:s8], $0xC800  }
0x31: {  	[sflag:s8] =	ssyncset.done $0x0  }
0x32: {  	[sflag:s8] =	ssyncadd.s32 $0xFFFF3800  }
0x33: {  	[hbm4b:s9+s2] =	stream.linear.scatter [tilespmem:s7], [sflag:$0x2], $0xC800, $0x38;
	[tilespmem:$0xCE40] =	vst v63  }
0x34: {  	_ =	swait.ge [sflag:s3], $0xC800  }
0x35: {  	[sflag:s3] =	ssyncset.done $0x0  }
0x36: {  	[sflag:s3] =	ssyncadd.s32 $0xFFFF3800  }
0x37: {  	[tilespmem:s7], [sflag:$0x1] =	stream.indirect.gather [hbm4b:s5+s6], $0x80, s6, s6, $0xb8;
	[tilespmem:$0xCE40] =	vst v63  }
0x38: {  	_ =	swait.ge [sflag:s8], $0xC800  }
0x39: {  	[sflag:s8] =	ssyncset.done $0x0  }
0x3a: {  	[sflag:s8] =	ssyncadd.s32 $0xFFFF3800  }
0x3b: {  	[hbm4b:s10+s2] =	stream.linear.scatter [tilespmem:s7], [sflag:$0x2], $0xC800, $0x38;
	[tilespmem:$0xCE40] =	vst v63  }
0x3c: {  	_ =	swait.ge [sflag:s3], $0xC800  }
0x3d: {  	[sflag:s3] =	ssyncset.done $0x0  }
0x3e: {  	[sflag:s3] =	ssyncadd.s32 $0xFFFF3800  }
0x3f: {  	[tilespmem:s7], [sflag:$0x1] =	stream.indirect.gather [hbm4b:s5+s6], $0x80, s11, s6, $0xb8;
	[tilespmem:$0xCE40] =	vst v63  }
0x40: {  	_ =	swait.ge [sflag:s8], $0xC800  }
0x41: {  	[sflag:s8] =	ssyncset.done $0x0  }
0x42: {  	[sflag:s8] =	ssyncadd.s32 $0xFFFF3800  }
0x43: {  	[hbm4b:s12+s2] =	stream.linear.scatter [tilespmem:s7], [sflag:$0x2], $0xC800, $0x38;
	[tilespmem:$0xCE40] =	vst v63  }
0x44: {  	_ =	swait.ge [sflag:s3], $0xC800  }
0x45: {  	[sflag:s3] =	ssyncset.done $0x0  }
0x46: {  	[sflag:s3] =	ssyncadd.s32 $0xFFFF3800  }
0x47: {  	[tilespmem:s7], [sflag:$0x1] =	stream.indirect.gather [hbm4b:s5+s6], $0x80, s13, s6, $0xb8;
	[tilespmem:$0xCE40] =	vst v63  }
0x48: {  	_ =	swait.ge [sflag:s8], $0xC800  }
.Ltmp1:
0x49: {  	[sflag:s8] =	ssyncset.done $0x0;
	(pc) =	sbr.rel @p0 .LBB2_1-.Ltmp1, $4  }
0x4a: {  	[sflag:s8] =	ssyncadd.s32 $0xFFFF3800  }
0x4b: {  	[hbm4b:s14+s2] =	stream.linear.scatter [tilespmem:s7], [sflag:$0x2], $0xC800, $0x38;
	[tilespmem:$0xCE40] =	vst v63  }
0x4c: {  	_ =	swait.ge [sflag:s3], $0xC800  }
0x4d: {  	[sflag:s3] =	ssyncset.done $0x0  }
.LBB2_2:
0x4e: {  	[sflag:s3] =	ssyncadd.s32 $0xFFFF3800  }
0x4f: {  	_ =	sfence.sel $0x180000  }
0x50: {  	[bflag:$0x0] =	sbarrier.arrive $0xFFFF  }
0x51: {  	p0 =	sne.s32 s0, $0x0;
	_ =	strace $0x90000047  }
0x52: {  	s0 =	sadd.s32 @!p0 $0x100000, s1;
	[bflag:$0x2] =	sbarrier.arrive $0xFFFF  }
0x53: {  	[sflag:s0] =	ssyncadd.tile.s32 @!p0 $0x1;
	_ =	shalt  }
.Lfunc_end2:
_tile_overlayer_lowered:
.L_overlay_start_2:
0x54: {  	(tag) =	ssettag $0x2  }
0x55: {  	s0 =	rddreg [dreg:$0x0];
	s2 =	stileid.u32  }
0x56: {  	s1 =	rddreg [dreg:$0x1];
	p0 =	sne.s32 s2, $0x0  }
0x57: {  	s3 =	rddreg [dreg:$0x2];
	[bflag:$0x3] =	sbarrier.arrive $0xFFFF;
	s2 =	simm.s32 @!p0 $0x1C02  }
0x58: {  	[timem:s3], [sflag:s2] =	dma.local @!p0 [hbm:s0], s1  }
0x59: {  	s0 =	simm.s32 @!p0 $0x2  }
0x5a: {  	_ =	swait.ge @!p0 [sflag:s0], s1  }
0x5b: {  	s1 =	ssub.s32 @!p0 $0x0, s1;
	[sflag:s0] =	ssyncset.done @!p0 $0x0  }
0x5c: {  	[sflag:s0] =	ssyncadd.s32 @!p0 s1  }
0x5d: {  	[bflag:$0x3] =	sbarrier.arrive $0xFFFF  }
0x5e: {  	_ =	shalt  }

</sc_bundles>
